<compile_context>
chip_gen: v7x
topology: tpu7x:2x2x1
jax: 0.10.2.dev20260603
libtpu: 0.0.44.dev20260713+nightly
codegen_flags: <defaults>
</compile_context>

<pallas_src>
import functools

import jax
from jax import lax
from jax.experimental import pallas as pl
from jax.experimental.pallas import tpu as pltpu
from jax.experimental.pallas import tpu_sc as plsc

_CHUNK_ROWS = 32


def _make_sc_copy(seq_len, d_model, dtype):
    info = plsc.get_sparse_core_info()
    nc, ns = info.num_cores, info.num_subcores
    nw = nc * ns
    rows_per = seq_len // nw
    nchunks = rows_per // _CHUNK_ROWS
    n_sp = nchunks // 2
    n_tile = nchunks - n_sp
    mesh = plsc.VectorSubcoreMesh(core_axis_name="c", subcore_axis_name="s")

    scratch = [
        pltpu.VMEM((_CHUNK_ROWS, d_model), dtype),
        pltpu.VMEM((_CHUNK_ROWS, d_model), dtype),
        pltpu.VMEM_SHARED((2 * ns, _CHUNK_ROWS, d_model), dtype),
    ]
    scratch += [pltpu.SemaphoreType.DMA] * 8

    @functools.partial(
        pl.kernel,
        mesh=mesh,
        out_type=jax.ShapeDtypeStruct((seq_len, d_model), dtype),
        scratch_types=scratch,
    )
    def sc_copy(table_hbm, out_hbm, tb0, tb1, shared, *sems):
        tg = sems[0:2]
        ts = sems[2:4]
        sg = sems[4:6]
        ss = sems[6:8]
        sid = lax.axis_index("s")
        wid = lax.axis_index("c") * ns + sid
        base = wid * rows_per
        tbufs = (tb0, tb1)
        tscat = [None, None]
        sscat = [None, None]
        for k in range(max(n_tile, n_sp)):
            b = k % 2
            gt = gs = None
            if k < n_tile:
                lo_t = base + k * _CHUNK_ROWS
                if tscat[b] is not None:
                    tscat[b].wait()
                gt = pltpu.async_copy(
                    table_hbm.at[pl.ds(lo_t, _CHUNK_ROWS)], tbufs[b], tg[b]
                )
            if k < n_sp:
                lo_s = base + (n_tile + k) * _CHUNK_ROWS
                if sscat[b] is not None:
                    sscat[b].wait()
                gs = pltpu.async_copy(
                    table_hbm.at[pl.ds(lo_s, _CHUNK_ROWS)],
                    shared.at[2 * sid + b],
                    sg[b],
                )
            if gt is not None:
                gt.wait()
                tscat[b] = pltpu.async_copy(
                    tbufs[b], out_hbm.at[pl.ds(lo_t, _CHUNK_ROWS)], ts[b]
                )
            if gs is not None:
                gs.wait()
                sscat[b] = pltpu.async_copy(
                    shared.at[2 * sid + b],
                    out_hbm.at[pl.ds(lo_s, _CHUNK_ROWS)],
                    ss[b],
                )
        for b in (0, 1):
            if tscat[b] is not None:
                tscat[b].wait()
            if sscat[b] is not None:
                sscat[b].wait()

    return sc_copy


def kernel(x, pos_table):
    seq_len = x.shape[1]
    d_model = pos_table.shape[1]
    table = pos_table[:seq_len]
    out = _make_sc_copy(seq_len, d_model, pos_table.dtype)(table)
    return out[None]

# --- scband reference (transcript-rebuilt; emitter-appended) ---
"""Pipeline reference for scband-learned-positional-embedding-11656541241890 (READ-ONLY COPY).

The authoritative reference and input builder live on the scoring server;
editing this copy changes nothing except your own understanding.
"""

import jax, jax.numpy as jnp
import numpy as np

MAX_LEN = 8192
D_MODEL = 1024

def setup_inputs(seed: int = 0) -> dict:
    key = jax.random.key(seed)
    k_x, k_w = jax.random.split(key)
    x = jax.random.normal(k_x, (4, 8192, 1024), dtype=jnp.float32)
    pos_table = jax.random.normal(k_w, (MAX_LEN, D_MODEL), dtype=jnp.float32)
    return {"x": x, "pos_table": pos_table}

def reference(x, pos_table):
    seq_len = x.shape[1]
    positions = jnp.arange(seq_len)[None, :]  # [1, seq_len]
    # embedding lookup: gather rows from the positional table
    out = jnp.take(pos_table, positions, axis=0)  # [1, seq_len, d_model]
    return out

if __name__ == "__main__":
    import jax
    _d = setup_inputs()
    print(jax.jit(kernel)(*tuple(_d.values())))

</pallas_src>

<mosaic_0001>
#map = affine_map<(d0, d1) -> (0, 0)>
module attributes {stable_mosaic.version = 14 : i64} {
  func.func @sc_copy(%arg0: i32, %arg1: i32, %arg2: memref<8192x1024xf32, #tpu.memory_space<hbm>>, %arg3: memref<8192x1024xf32, #tpu.memory_space<hbm>>, %arg4: memref<32x1024xf32, #tpu.memory_space<vmem>>, %arg5: memref<32x1024xf32, #tpu.memory_space<vmem>>, %arg6: memref<32x32x1024xf32, #tpu.memory_space<vmem_shared>>, %arg7: memref<!tpu.dma_semaphore, #tpu.memory_space<semaphore_mem>>, %arg8: memref<!tpu.dma_semaphore, #tpu.memory_space<semaphore_mem>>, %arg9: memref<!tpu.dma_semaphore, #tpu.memory_space<semaphore_mem>>, %arg10: memref<!tpu.dma_semaphore, #tpu.memory_space<semaphore_mem>>, %arg11: memref<!tpu.dma_semaphore, #tpu.memory_space<semaphore_mem>>, %arg12: memref<!tpu.dma_semaphore, #tpu.memory_space<semaphore_mem>>, %arg13: memref<!tpu.dma_semaphore, #tpu.memory_space<semaphore_mem>>, %arg14: memref<!tpu.dma_semaphore, #tpu.memory_space<semaphore_mem>>) attributes {dimension_semantics = [#tpu.dimension_semantics<core_parallel>, #tpu.dimension_semantics<subcore_parallel>], iteration_bounds = array<i64: 2, 16>, scalar_prefetch = 0 : i64, scratch_operands = 11 : i64, tpu.core_type = #tpu.core_type<sc_vector_subcore>, window_params = [{transform_indices = #map}, {transform_indices = #map}]} {
    %mul3A = arith.constant 16 : i32
    %mul3A_0 = arith.muli %arg0, %mul3A : i32
    %add3A = arith.addi %mul3A_0, %arg1 : i32
    %mul3A_1 = arith.constant 256 : i32
    %mul3A_2 = arith.muli %add3A, %mul3A_1 : i32
    %add3A_3 = arith.constant 0 : i32
    %add3A_4 = arith.addi %mul3A_2, %add3A_3 : i32
    %dma_start3A = arith.constant 0 : i32
    %dma_start3A_5 = tpu.memref_slice %arg2[%add3A_4, %dma_start3A] : memref<8192x1024xf32, #tpu.memory_space<hbm>> -> memref<32x1024xf32, #tpu.memory_space<hbm>>
    %dma_start3A_6 = arith.constant 0 : i32
    %dma_start3A_7 = tpu.memref_slice %arg2[%add3A_4, %dma_start3A_6] : memref<8192x1024xf32, #tpu.memory_space<hbm>> -> memref<32x1024xf32, #tpu.memory_space<hbm>>
    tpu.enqueue_dma source(%dma_start3A_7 : memref<32x1024xf32, #tpu.memory_space<hbm>>) target(%arg4 : memref<32x1024xf32, #tpu.memory_space<vmem>>) target_semaphore(%arg7 : memref<!tpu.dma_semaphore, #tpu.memory_space<semaphore_mem>>)
    %add3A_8 = arith.constant 128 : i32
    %add3A_9 = arith.addi %mul3A_2, %add3A_8 : i32
    %mul3A_10 = arith.constant 2 : i32
    %mul3A_11 = arith.muli %mul3A_10, %arg1 : i32
    %add3A_12 = arith.constant 0 : i32
    %add3A_13 = arith.addi %mul3A_11, %add3A_12 : i32
    %dma_start3A_14 = arith.constant 0 : i32
    %dma_start3A_15 = arith.constant 0 : i32
    %dma_start3A_16 = tpu.memref_slice %arg6[%add3A_13, %dma_start3A_14, %dma_start3A_15] : memref<32x32x1024xf32, #tpu.memory_space<vmem_shared>> -> memref<1x32x1024xf32, #tpu.memory_space<vmem_shared>>
    %dma_start3A_17 = tpu.memref_squeeze %dma_start3A_16 : memref<1x32x1024xf32, #tpu.memory_space<vmem_shared>> -> memref<32x1024xf32, #tpu.memory_space<vmem_shared>>
    %dma_start3A_18 = arith.constant 0 : i32
    %dma_start3A_19 = tpu.memref_slice %arg2[%add3A_9, %dma_start3A_18] : memref<8192x1024xf32, #tpu.memory_space<hbm>> -> memref<32x1024xf32, #tpu.memory_space<hbm>>
    tpu.enqueue_dma source(%dma_start3A_19 : memref<32x1024xf32, #tpu.memory_space<hbm>>) target(%dma_start3A_17 : memref<32x1024xf32, #tpu.memory_space<vmem_shared>>) target_semaphore(%arg11 : memref<!tpu.dma_semaphore, #tpu.memory_space<semaphore_mem>>)
    %dma_wait3A = arith.constant 0 : i32
    %dma_wait3A_20 = tpu.memref_slice %arg2[%add3A_4, %dma_wait3A] : memref<8192x1024xf32, #tpu.memory_space<hbm>> -> memref<32x1024xf32, #tpu.memory_space<hbm>>
    %dma_wait3A_21 = arith.constant 0 : i32
    %dma_wait3A_22 = tpu.memref_slice %arg2[%add3A_4, %dma_wait3A_21] : memref<8192x1024xf32, #tpu.memory_space<hbm>> -> memref<32x1024xf32, #tpu.memory_space<hbm>>
    tpu.wait_dma2 semaphore(%arg7 : memref<!tpu.dma_semaphore, #tpu.memory_space<semaphore_mem>>) src(%dma_wait3A_22 : memref<32x1024xf32, #tpu.memory_space<hbm>>) dst(%arg4 : memref<32x1024xf32, #tpu.memory_space<vmem>>)
    %dma_start3A_23 = arith.constant 0 : i32
    %dma_start3A_24 = tpu.memref_slice %arg3[%add3A_4, %dma_start3A_23] : memref<8192x1024xf32, #tpu.memory_space<hbm>> -> memref<32x1024xf32, #tpu.memory_space<hbm>>
    %dma_start3A_25 = arith.constant 0 : i32
    %dma_start3A_26 = tpu.memref_slice %arg3[%add3A_4, %dma_start3A_25] : memref<8192x1024xf32, #tpu.memory_space<hbm>> -> memref<32x1024xf32, #tpu.memory_space<hbm>>
    tpu.enqueue_dma source(%arg4 : memref<32x1024xf32, #tpu.memory_space<vmem>>) target(%dma_start3A_26 : memref<32x1024xf32, #tpu.memory_space<hbm>>) target_semaphore(%arg9 : memref<!tpu.dma_semaphore, #tpu.memory_space<semaphore_mem>>)
    %dma_wait3A_27 = arith.constant 0 : i32
    %dma_wait3A_28 = arith.constant 0 : i32
    %dma_wait3A_29 = tpu.memref_slice %arg6[%add3A_13, %dma_wait3A_27, %dma_wait3A_28] : memref<32x32x1024xf32, #tpu.memory_space<vmem_shared>> -> memref<1x32x1024xf32, #tpu.memory_space<vmem_shared>>
    %dma_wait3A_30 = tpu.memref_squeeze %dma_wait3A_29 : memref<1x32x1024xf32, #tpu.memory_space<vmem_shared>> -> memref<32x1024xf32, #tpu.memory_space<vmem_shared>>
    %dma_wait3A_31 = arith.constant 0 : i32
    %dma_wait3A_32 = tpu.memref_slice %arg2[%add3A_9, %dma_wait3A_31] : memref<8192x1024xf32, #tpu.memory_space<hbm>> -> memref<32x1024xf32, #tpu.memory_space<hbm>>
    tpu.wait_dma2 semaphore(%arg11 : memref<!tpu.dma_semaphore, #tpu.memory_space<semaphore_mem>>) src(%dma_wait3A_32 : memref<32x1024xf32, #tpu.memory_space<hbm>>) dst(%dma_wait3A_30 : memref<32x1024xf32, #tpu.memory_space<vmem_shared>>)
    %mul3A_33 = arith.constant 2 : i32
    %mul3A_34 = arith.muli %mul3A_33, %arg1 : i32
    %add3A_35 = arith.constant 0 : i32
    %add3A_36 = arith.addi %mul3A_34, %add3A_35 : i32
    %dma_start3A_37 = arith.constant 0 : i32
    %dma_start3A_38 = tpu.memref_slice %arg3[%add3A_9, %dma_start3A_37] : memref<8192x1024xf32, #tpu.memory_space<hbm>> -> memref<32x1024xf32, #tpu.memory_space<hbm>>
    %dma_start3A_39 = arith.constant 0 : i32
    %dma_start3A_40 = arith.constant 0 : i32
    %dma_start3A_41 = tpu.memref_slice %arg6[%add3A_36, %dma_start3A_39, %dma_start3A_40] : memref<32x32x1024xf32, #tpu.memory_space<vmem_shared>> -> memref<1x32x1024xf32, #tpu.memory_space<vmem_shared>>
    %dma_start3A_42 = tpu.memref_squeeze %dma_start3A_41 : memref<1x32x1024xf32, #tpu.memory_space<vmem_shared>> -> memref<32x1024xf32, #tpu.memory_space<vmem_shared>>
    tpu.enqueue_dma source(%dma_start3A_42 : memref<32x1024xf32, #tpu.memory_space<vmem_shared>>) target(%dma_start3A_38 : memref<32x1024xf32, #tpu.memory_space<hbm>>) target_semaphore(%arg13 : memref<!tpu.dma_semaphore, #tpu.memory_space<semaphore_mem>>)
    %add3A_43 = arith.constant 32 : i32
    %add3A_44 = arith.addi %mul3A_2, %add3A_43 : i32
    %dma_start3A_45 = arith.constant 0 : i32
    %dma_start3A_46 = tpu.memref_slice %arg2[%add3A_44, %dma_start3A_45] : memref<8192x1024xf32, #tpu.memory_space<hbm>> -> memref<32x1024xf32, #tpu.memory_space<hbm>>
    %dma_start3A_47 = arith.constant 0 : i32
    %dma_start3A_48 = tpu.memref_slice %arg2[%add3A_44, %dma_start3A_47] : memref<8192x1024xf32, #tpu.memory_space<hbm>> -> memref<32x1024xf32, #tpu.memory_space<hbm>>
    tpu.enqueue_dma source(%dma_start3A_48 : memref<32x1024xf32, #tpu.memory_space<hbm>>) target(%arg5 : memref<32x1024xf32, #tpu.memory_space<vmem>>) target_semaphore(%arg8 : memref<!tpu.dma_semaphore, #tpu.memory_space<semaphore_mem>>)
    %add3A_49 = arith.constant 160 : i32
    %add3A_50 = arith.addi %mul3A_2, %add3A_49 : i32
    %mul3A_51 = arith.constant 2 : i32
    %mul3A_52 = arith.muli %mul3A_51, %arg1 : i32
    %add3A_53 = arith.constant 1 : i32
    %add3A_54 = arith.addi %mul3A_52, %add3A_53 : i32
    %dma_start3A_55 = arith.constant 0 : i32
    %dma_start3A_56 = arith.constant 0 : i32
    %dma_start3A_57 = tpu.memref_slice %arg6[%add3A_54, %dma_start3A_55, %dma_start3A_56] : memref<32x32x1024xf32, #tpu.memory_space<vmem_shared>> -> memref<1x32x1024xf32, #tpu.memory_space<vmem_shared>>
    %dma_start3A_58 = tpu.memref_squeeze %dma_start3A_57 : memref<1x32x1024xf32, #tpu.memory_space<vmem_shared>> -> memref<32x1024xf32, #tpu.memory_space<vmem_shared>>
    %dma_start3A_59 = arith.constant 0 : i32
    %dma_start3A_60 = tpu.memref_slice %arg2[%add3A_50, %dma_start3A_59] : memref<8192x1024xf32, #tpu.memory_space<hbm>> -> memref<32x1024xf32, #tpu.memory_space<hbm>>
    tpu.enqueue_dma source(%dma_start3A_60 : memref<32x1024xf32, #tpu.memory_space<hbm>>) target(%dma_start3A_58 : memref<32x1024xf32, #tpu.memory_space<vmem_shared>>) target_semaphore(%arg12 : memref<!tpu.dma_semaphore, #tpu.memory_space<semaphore_mem>>)
    %dma_wait3A_61 = arith.constant 0 : i32
    %dma_wait3A_62 = tpu.memref_slice %arg2[%add3A_44, %dma_wait3A_61] : memref<8192x1024xf32, #tpu.memory_space<hbm>> -> memref<32x1024xf32, #tpu.memory_space<hbm>>
    %dma_wait3A_63 = arith.constant 0 : i32
    %dma_wait3A_64 = tpu.memref_slice %arg2[%add3A_44, %dma_wait3A_63] : memref<8192x1024xf32, #tpu.memory_space<hbm>> -> memref<32x1024xf32, #tpu.memory_space<hbm>>
    tpu.wait_dma2 semaphore(%arg8 : memref<!tpu.dma_semaphore, #tpu.memory_space<semaphore_mem>>) src(%dma_wait3A_64 : memref<32x1024xf32, #tpu.memory_space<hbm>>) dst(%arg5 : memref<32x1024xf32, #tpu.memory_space<vmem>>)
    %dma_start3A_65 = arith.constant 0 : i32
    %dma_start3A_66 = tpu.memref_slice %arg3[%add3A_44, %dma_start3A_65] : memref<8192x1024xf32, #tpu.memory_space<hbm>> -> memref<32x1024xf32, #tpu.memory_space<hbm>>
    %dma_start3A_67 = arith.constant 0 : i32
    %dma_start3A_68 = tpu.memref_slice %arg3[%add3A_44, %dma_start3A_67] : memref<8192x1024xf32, #tpu.memory_space<hbm>> -> memref<32x1024xf32, #tpu.memory_space<hbm>>
    tpu.enqueue_dma source(%arg5 : memref<32x1024xf32, #tpu.memory_space<vmem>>) target(%dma_start3A_68 : memref<32x1024xf32, #tpu.memory_space<hbm>>) target_semaphore(%arg10 : memref<!tpu.dma_semaphore, #tpu.memory_space<semaphore_mem>>)
    %dma_wait3A_69 = arith.constant 0 : i32
    %dma_wait3A_70 = arith.constant 0 : i32
    %dma_wait3A_71 = tpu.memref_slice %arg6[%add3A_54, %dma_wait3A_69, %dma_wait3A_70] : memref<32x32x1024xf32, #tpu.memory_space<vmem_shared>> -> memref<1x32x1024xf32, #tpu.memory_space<vmem_shared>>
    %dma_wait3A_72 = tpu.memref_squeeze %dma_wait3A_71 : memref<1x32x1024xf32, #tpu.memory_space<vmem_shared>> -> memref<32x1024xf32, #tpu.memory_space<vmem_shared>>
    %dma_wait3A_73 = arith.constant 0 : i32
    %dma_wait3A_74 = tpu.memref_slice %arg2[%add3A_50, %dma_wait3A_73] : memref<8192x1024xf32, #tpu.memory_space<hbm>> -> memref<32x1024xf32, #tpu.memory_space<hbm>>
    tpu.wait_dma2 semaphore(%arg12 : memref<!tpu.dma_semaphore, #tpu.memory_space<semaphore_mem>>) src(%dma_wait3A_74 : memref<32x1024xf32, #tpu.memory_space<hbm>>) dst(%dma_wait3A_72 : memref<32x1024xf32, #tpu.memory_space<vmem_shared>>)
    %mul3A_75 = arith.constant 2 : i32
    %mul3A_76 = arith.muli %mul3A_75, %arg1 : i32
    %add3A_77 = arith.constant 1 : i32
    %add3A_78 = arith.addi %mul3A_76, %add3A_77 : i32
    %dma_start3A_79 = arith.constant 0 : i32
    %dma_start3A_80 = tpu.memref_slice %arg3[%add3A_50, %dma_start3A_79] : memref<8192x1024xf32, #tpu.memory_space<hbm>> -> memref<32x1024xf32, #tpu.memory_space<hbm>>
    %dma_start3A_81 = arith.constant 0 : i32
    %dma_start3A_82 = arith.constant 0 : i32
    %dma_start3A_83 = tpu.memref_slice %arg6[%add3A_78, %dma_start3A_81, %dma_start3A_82] : memref<32x32x1024xf32, #tpu.memory_space<vmem_shared>> -> memref<1x32x1024xf32, #tpu.memory_space<vmem_shared>>
    %dma_start3A_84 = tpu.memref_squeeze %dma_start3A_83 : memref<1x32x1024xf32, #tpu.memory_space<vmem_shared>> -> memref<32x1024xf32, #tpu.memory_space<vmem_shared>>
    tpu.enqueue_dma source(%dma_start3A_84 : memref<32x1024xf32, #tpu.memory_space<vmem_shared>>) target(%dma_start3A_80 : memref<32x1024xf32, #tpu.memory_space<hbm>>) target_semaphore(%arg14 : memref<!tpu.dma_semaphore, #tpu.memory_space<semaphore_mem>>)
    %add3A_85 = arith.constant 64 : i32
    %add3A_86 = arith.addi %mul3A_2, %add3A_85 : i32
    %dma_wait3A_87 = arith.constant 0 : i32
    %dma_wait3A_88 = tpu.memref_slice %arg3[%add3A_4, %dma_wait3A_87] : memref<8192x1024xf32, #tpu.memory_space<hbm>> -> memref<32x1024xf32, #tpu.memory_space<hbm>>
    %dma_wait3A_89 = arith.constant 0 : i32
    %dma_wait3A_90 = tpu.memref_slice %arg3[%add3A_4, %dma_wait3A_89] : memref<8192x1024xf32, #tpu.memory_space<hbm>> -> memref<32x1024xf32, #tpu.memory_space<hbm>>
    tpu.wait_dma2 semaphore(%arg9 : memref<!tpu.dma_semaphore, #tpu.memory_space<semaphore_mem>>) src(%arg4 : memref<32x1024xf32, #tpu.memory_space<vmem>>) dst(%dma_wait3A_90 : memref<32x1024xf32, #tpu.memory_space<hbm>>)
    %dma_start3A_91 = arith.constant 0 : i32
    %dma_start3A_92 = tpu.memref_slice %arg2[%add3A_86, %dma_start3A_91] : memref<8192x1024xf32, #tpu.memory_space<hbm>> -> memref<32x1024xf32, #tpu.memory_space<hbm>>
    %dma_start3A_93 = arith.constant 0 : i32
    %dma_start3A_94 = tpu.memref_slice %arg2[%add3A_86, %dma_start3A_93] : memref<8192x1024xf32, #tpu.memory_space<hbm>> -> memref<32x1024xf32, #tpu.memory_space<hbm>>
    tpu.enqueue_dma source(%dma_start3A_94 : memref<32x1024xf32, #tpu.memory_space<hbm>>) target(%arg4 : memref<32x1024xf32, #tpu.memory_space<vmem>>) target_semaphore(%arg7 : memref<!tpu.dma_semaphore, #tpu.memory_space<semaphore_mem>>)
    %add3A_95 = arith.constant 192 : i32
    %add3A_96 = arith.addi %mul3A_2, %add3A_95 : i32
    %dma_wait3A_97 = arith.constant 0 : i32
    %dma_wait3A_98 = tpu.memref_slice %arg3[%add3A_9, %dma_wait3A_97] : memref<8192x1024xf32, #tpu.memory_space<hbm>> -> memref<32x1024xf32, #tpu.memory_space<hbm>>
    %dma_wait3A_99 = arith.constant 0 : i32
    %dma_wait3A_100 = arith.constant 0 : i32
    %dma_wait3A_101 = tpu.memref_slice %arg6[%add3A_36, %dma_wait3A_99, %dma_wait3A_100] : memref<32x32x1024xf32, #tpu.memory_space<vmem_shared>> -> memref<1x32x1024xf32, #tpu.memory_space<vmem_shared>>
    %dma_wait3A_102 = tpu.memref_squeeze %dma_wait3A_101 : memref<1x32x1024xf32, #tpu.memory_space<vmem_shared>> -> memref<32x1024xf32, #tpu.memory_space<vmem_shared>>
    tpu.wait_dma2 semaphore(%arg13 : memref<!tpu.dma_semaphore, #tpu.memory_space<semaphore_mem>>) src(%dma_wait3A_102 : memref<32x1024xf32, #tpu.memory_space<vmem_shared>>) dst(%dma_wait3A_98 : memref<32x1024xf32, #tpu.memory_space<hbm>>)
    %mul3A_103 = arith.constant 2 : i32
    %mul3A_104 = arith.muli %mul3A_103, %arg1 : i32
    %add3A_105 = arith.constant 0 : i32
    %add3A_106 = arith.addi %mul3A_104, %add3A_105 : i32
    %dma_start3A_107 = arith.constant 0 : i32
    %dma_start3A_108 = arith.constant 0 : i32
    %dma_start3A_109 = tpu.memref_slice %arg6[%add3A_106, %dma_start3A_107, %dma_start3A_108] : memref<32x32x1024xf32, #tpu.memory_space<vmem_shared>> -> memref<1x32x1024xf32, #tpu.memory_space<vmem_shared>>
    %dma_start3A_110 = tpu.memref_squeeze %dma_start3A_109 : memref<1x32x1024xf32, #tpu.memory_space<vmem_shared>> -> memref<32x1024xf32, #tpu.memory_space<vmem_shared>>
    %dma_start3A_111 = arith.constant 0 : i32
    %dma_start3A_112 = tpu.memref_slice %arg2[%add3A_96, %dma_start3A_111] : memref<8192x1024xf32, #tpu.memory_space<hbm>> -> memref<32x1024xf32, #tpu.memory_space<hbm>>
    tpu.enqueue_dma source(%dma_start3A_112 : memref<32x1024xf32, #tpu.memory_space<hbm>>) target(%dma_start3A_110 : memref<32x1024xf32, #tpu.memory_space<vmem_shared>>) target_semaphore(%arg11 : memref<!tpu.dma_semaphore, #tpu.memory_space<semaphore_mem>>)
    %dma_wait3A_113 = arith.constant 0 : i32
    %dma_wait3A_114 = tpu.memref_slice %arg2[%add3A_86, %dma_wait3A_113] : memref<8192x1024xf32, #tpu.memory_space<hbm>> -> memref<32x1024xf32, #tpu.memory_space<hbm>>
    %dma_wait3A_115 = arith.constant 0 : i32
    %dma_wait3A_116 = tpu.memref_slice %arg2[%add3A_86, %dma_wait3A_115] : memref<8192x1024xf32, #tpu.memory_space<hbm>> -> memref<32x1024xf32, #tpu.memory_space<hbm>>
    tpu.wait_dma2 semaphore(%arg7 : memref<!tpu.dma_semaphore, #tpu.memory_space<semaphore_mem>>) src(%dma_wait3A_116 : memref<32x1024xf32, #tpu.memory_space<hbm>>) dst(%arg4 : memref<32x1024xf32, #tpu.memory_space<vmem>>)
    %dma_start3A_117 = arith.constant 0 : i32
    %dma_start3A_118 = tpu.memref_slice %arg3[%add3A_86, %dma_start3A_117] : memref<8192x1024xf32, #tpu.memory_space<hbm>> -> memref<32x1024xf32, #tpu.memory_space<hbm>>
    %dma_start3A_119 = arith.constant 0 : i32
    %dma_start3A_120 = tpu.memref_slice %arg3[%add3A_86, %dma_start3A_119] : memref<8192x1024xf32, #tpu.memory_space<hbm>> -> memref<32x1024xf32, #tpu.memory_space<hbm>>
    tpu.enqueue_dma source(%arg4 : memref<32x1024xf32, #tpu.memory_space<vmem>>) target(%dma_start3A_120 : memref<32x1024xf32, #tpu.memory_space<hbm>>) target_semaphore(%arg9 : memref<!tpu.dma_semaphore, #tpu.memory_space<semaphore_mem>>)
    %dma_wait3A_121 = arith.constant 0 : i32
    %dma_wait3A_122 = arith.constant 0 : i32
    %dma_wait3A_123 = tpu.memref_slice %arg6[%add3A_106, %dma_wait3A_121, %dma_wait3A_122] : memref<32x32x1024xf32, #tpu.memory_space<vmem_shared>> -> memref<1x32x1024xf32, #tpu.memory_space<vmem_shared>>
    %dma_wait3A_124 = tpu.memref_squeeze %dma_wait3A_123 : memref<1x32x1024xf32, #tpu.memory_space<vmem_shared>> -> memref<32x1024xf32, #tpu.memory_space<vmem_shared>>
    %dma_wait3A_125 = arith.constant 0 : i32
    %dma_wait3A_126 = tpu.memref_slice %arg2[%add3A_96, %dma_wait3A_125] : memref<8192x1024xf32, #tpu.memory_space<hbm>> -> memref<32x1024xf32, #tpu.memory_space<hbm>>
    tpu.wait_dma2 semaphore(%arg11 : memref<!tpu.dma_semaphore, #tpu.memory_space<semaphore_mem>>) src(%dma_wait3A_126 : memref<32x1024xf32, #tpu.memory_space<hbm>>) dst(%dma_wait3A_124 : memref<32x1024xf32, #tpu.memory_space<vmem_shared>>)
    %mul3A_127 = arith.constant 2 : i32
    %mul3A_128 = arith.muli %mul3A_127, %arg1 : i32
    %add3A_129 = arith.constant 0 : i32
    %add3A_130 = arith.addi %mul3A_128, %add3A_129 : i32
    %dma_start3A_131 = arith.constant 0 : i32
    %dma_start3A_132 = tpu.memref_slice %arg3[%add3A_96, %dma_start3A_131] : memref<8192x1024xf32, #tpu.memory_space<hbm>> -> memref<32x1024xf32, #tpu.memory_space<hbm>>
    %dma_start3A_133 = arith.constant 0 : i32
    %dma_start3A_134 = arith.constant 0 : i32
    %dma_start3A_135 = tpu.memref_slice %arg6[%add3A_130, %dma_start3A_133, %dma_start3A_134] : memref<32x32x1024xf32, #tpu.memory_space<vmem_shared>> -> memref<1x32x1024xf32, #tpu.memory_space<vmem_shared>>
    %dma_start3A_136 = tpu.memref_squeeze %dma_start3A_135 : memref<1x32x1024xf32, #tpu.memory_space<vmem_shared>> -> memref<32x1024xf32, #tpu.memory_space<vmem_shared>>
    tpu.enqueue_dma source(%dma_start3A_136 : memref<32x1024xf32, #tpu.memory_space<vmem_shared>>) target(%dma_start3A_132 : memref<32x1024xf32, #tpu.memory_space<hbm>>) target_semaphore(%arg13 : memref<!tpu.dma_semaphore, #tpu.memory_space<semaphore_mem>>)
    %add3A_137 = arith.constant 96 : i32
    %add3A_138 = arith.addi %mul3A_2, %add3A_137 : i32
    %dma_wait3A_139 = arith.constant 0 : i32
    %dma_wait3A_140 = tpu.memref_slice %arg3[%add3A_44, %dma_wait3A_139] : memref<8192x1024xf32, #tpu.memory_space<hbm>> -> memref<32x1024xf32, #tpu.memory_space<hbm>>
    %dma_wait3A_141 = arith.constant 0 : i32
    %dma_wait3A_142 = tpu.memref_slice %arg3[%add3A_44, %dma_wait3A_141] : memref<8192x1024xf32, #tpu.memory_space<hbm>> -> memref<32x1024xf32, #tpu.memory_space<hbm>>
    tpu.wait_dma2 semaphore(%arg10 : memref<!tpu.dma_semaphore, #tpu.memory_space<semaphore_mem>>) src(%arg5 : memref<32x1024xf32, #tpu.memory_space<vmem>>) dst(%dma_wait3A_142 : memref<32x1024xf32, #tpu.memory_space<hbm>>)
    %dma_start3A_143 = arith.constant 0 : i32
    %dma_start3A_144 = tpu.memref_slice %arg2[%add3A_138, %dma_start3A_143] : memref<8192x1024xf32, #tpu.memory_space<hbm>> -> memref<32x1024xf32, #tpu.memory_space<hbm>>
    %dma_start3A_145 = arith.constant 0 : i32
    %dma_start3A_146 = tpu.memref_slice %arg2[%add3A_138, %dma_start3A_145] : memref<8192x1024xf32, #tpu.memory_space<hbm>> -> memref<32x1024xf32, #tpu.memory_space<hbm>>
    tpu.enqueue_dma source(%dma_start3A_146 : memref<32x1024xf32, #tpu.memory_space<hbm>>) target(%arg5 : memref<32x1024xf32, #tpu.memory_space<vmem>>) target_semaphore(%arg8 : memref<!tpu.dma_semaphore, #tpu.memory_space<semaphore_mem>>)
    %add3A_147 = arith.constant 224 : i32
    %add3A_148 = arith.addi %mul3A_2, %add3A_147 : i32
    %dma_wait3A_149 = arith.constant 0 : i32
    %dma_wait3A_150 = tpu.memref_slice %arg3[%add3A_50, %dma_wait3A_149] : memref<8192x1024xf32, #tpu.memory_space<hbm>> -> memref<32x1024xf32, #tpu.memory_space<hbm>>
    %dma_wait3A_151 = arith.constant 0 : i32
    %dma_wait3A_152 = arith.constant 0 : i32
    %dma_wait3A_153 = tpu.memref_slice %arg6[%add3A_78, %dma_wait3A_151, %dma_wait3A_152] : memref<32x32x1024xf32, #tpu.memory_space<vmem_shared>> -> memref<1x32x1024xf32, #tpu.memory_space<vmem_shared>>
    %dma_wait3A_154 = tpu.memref_squeeze %dma_wait3A_153 : memref<1x32x1024xf32, #tpu.memory_space<vmem_shared>> -> memref<32x1024xf32, #tpu.memory_space<vmem_shared>>
    tpu.wait_dma2 semaphore(%arg14 : memref<!tpu.dma_semaphore, #tpu.memory_space<semaphore_mem>>) src(%dma_wait3A_154 : memref<32x1024xf32, #tpu.memory_space<vmem_shared>>) dst(%dma_wait3A_150 : memref<32x1024xf32, #tpu.memory_space<hbm>>)
    %mul3A_155 = arith.constant 2 : i32
    %mul3A_156 = arith.muli %mul3A_155, %arg1 : i32
    %add3A_157 = arith.constant 1 : i32
    %add3A_158 = arith.addi %mul3A_156, %add3A_157 : i32
    %dma_start3A_159 = arith.constant 0 : i32
    %dma_start3A_160 = arith.constant 0 : i32
    %dma_start3A_161 = tpu.memref_slice %arg6[%add3A_158, %dma_start3A_159, %dma_start3A_160] : memref<32x32x1024xf32, #tpu.memory_space<vmem_shared>> -> memref<1x32x1024xf32, #tpu.memory_space<vmem_shared>>
    %dma_start3A_162 = tpu.memref_squeeze %dma_start3A_161 : memref<1x32x1024xf32, #tpu.memory_space<vmem_shared>> -> memref<32x1024xf32, #tpu.memory_space<vmem_shared>>
    %dma_start3A_163 = arith.constant 0 : i32
    %dma_start3A_164 = tpu.memref_slice %arg2[%add3A_148, %dma_start3A_163] : memref<8192x1024xf32, #tpu.memory_space<hbm>> -> memref<32x1024xf32, #tpu.memory_space<hbm>>
    tpu.enqueue_dma source(%dma_start3A_164 : memref<32x1024xf32, #tpu.memory_space<hbm>>) target(%dma_start3A_162 : memref<32x1024xf32, #tpu.memory_space<vmem_shared>>) target_semaphore(%arg12 : memref<!tpu.dma_semaphore, #tpu.memory_space<semaphore_mem>>)
    %dma_wait3A_165 = arith.constant 0 : i32
    %dma_wait3A_166 = tpu.memref_slice %arg2[%add3A_138, %dma_wait3A_165] : memref<8192x1024xf32, #tpu.memory_space<hbm>> -> memref<32x1024xf32, #tpu.memory_space<hbm>>
    %dma_wait3A_167 = arith.constant 0 : i32
    %dma_wait3A_168 = tpu.memref_slice %arg2[%add3A_138, %dma_wait3A_167] : memref<8192x1024xf32, #tpu.memory_space<hbm>> -> memref<32x1024xf32, #tpu.memory_space<hbm>>
    tpu.wait_dma2 semaphore(%arg8 : memref<!tpu.dma_semaphore, #tpu.memory_space<semaphore_mem>>) src(%dma_wait3A_168 : memref<32x1024xf32, #tpu.memory_space<hbm>>) dst(%arg5 : memref<32x1024xf32, #tpu.memory_space<vmem>>)
    %dma_start3A_169 = arith.constant 0 : i32
    %dma_start3A_170 = tpu.memref_slice %arg3[%add3A_138, %dma_start3A_169] : memref<8192x1024xf32, #tpu.memory_space<hbm>> -> memref<32x1024xf32, #tpu.memory_space<hbm>>
    %dma_start3A_171 = arith.constant 0 : i32
    %dma_start3A_172 = tpu.memref_slice %arg3[%add3A_138, %dma_start3A_171] : memref<8192x1024xf32, #tpu.memory_space<hbm>> -> memref<32x1024xf32, #tpu.memory_space<hbm>>
    tpu.enqueue_dma source(%arg5 : memref<32x1024xf32, #tpu.memory_space<vmem>>) target(%dma_start3A_172 : memref<32x1024xf32, #tpu.memory_space<hbm>>) target_semaphore(%arg10 : memref<!tpu.dma_semaphore, #tpu.memory_space<semaphore_mem>>)
    %dma_wait3A_173 = arith.constant 0 : i32
    %dma_wait3A_174 = arith.constant 0 : i32
    %dma_wait3A_175 = tpu.memref_slice %arg6[%add3A_158, %dma_wait3A_173, %dma_wait3A_174] : memref<32x32x1024xf32, #tpu.memory_space<vmem_shared>> -> memref<1x32x1024xf32, #tpu.memory_space<vmem_shared>>
    %dma_wait3A_176 = tpu.memref_squeeze %dma_wait3A_175 : memref<1x32x1024xf32, #tpu.memory_space<vmem_shared>> -> memref<32x1024xf32, #tpu.memory_space<vmem_shared>>
    %dma_wait3A_177 = arith.constant 0 : i32
    %dma_wait3A_178 = tpu.memref_slice %arg2[%add3A_148, %dma_wait3A_177] : memref<8192x1024xf32, #tpu.memory_space<hbm>> -> memref<32x1024xf32, #tpu.memory_space<hbm>>
    tpu.wait_dma2 semaphore(%arg12 : memref<!tpu.dma_semaphore, #tpu.memory_space<semaphore_mem>>) src(%dma_wait3A_178 : memref<32x1024xf32, #tpu.memory_space<hbm>>) dst(%dma_wait3A_176 : memref<32x1024xf32, #tpu.memory_space<vmem_shared>>)
    %mul3A_179 = arith.constant 2 : i32
    %mul3A_180 = arith.muli %mul3A_179, %arg1 : i32
    %add3A_181 = arith.constant 1 : i32
    %add3A_182 = arith.addi %mul3A_180, %add3A_181 : i32
    %dma_start3A_183 = arith.constant 0 : i32
    %dma_start3A_184 = tpu.memref_slice %arg3[%add3A_148, %dma_start3A_183] : memref<8192x1024xf32, #tpu.memory_space<hbm>> -> memref<32x1024xf32, #tpu.memory_space<hbm>>
    %dma_start3A_185 = arith.constant 0 : i32
    %dma_start3A_186 = arith.constant 0 : i32
    %dma_start3A_187 = tpu.memref_slice %arg6[%add3A_182, %dma_start3A_185, %dma_start3A_186] : memref<32x32x1024xf32, #tpu.memory_space<vmem_shared>> -> memref<1x32x1024xf32, #tpu.memory_space<vmem_shared>>
    %dma_start3A_188 = tpu.memref_squeeze %dma_start3A_187 : memref<1x32x1024xf32, #tpu.memory_space<vmem_shared>> -> memref<32x1024xf32, #tpu.memory_space<vmem_shared>>
    tpu.enqueue_dma source(%dma_start3A_188 : memref<32x1024xf32, #tpu.memory_space<vmem_shared>>) target(%dma_start3A_184 : memref<32x1024xf32, #tpu.memory_space<hbm>>) target_semaphore(%arg14 : memref<!tpu.dma_semaphore, #tpu.memory_space<semaphore_mem>>)
    %dma_wait3A_189 = arith.constant 0 : i32
    %dma_wait3A_190 = tpu.memref_slice %arg3[%add3A_86, %dma_wait3A_189] : memref<8192x1024xf32, #tpu.memory_space<hbm>> -> memref<32x1024xf32, #tpu.memory_space<hbm>>
    %dma_wait3A_191 = arith.constant 0 : i32
    %dma_wait3A_192 = tpu.memref_slice %arg3[%add3A_86, %dma_wait3A_191] : memref<8192x1024xf32, #tpu.memory_space<hbm>> -> memref<32x1024xf32, #tpu.memory_space<hbm>>
    tpu.wait_dma2 semaphore(%arg9 : memref<!tpu.dma_semaphore, #tpu.memory_space<semaphore_mem>>) src(%arg4 : memref<32x1024xf32, #tpu.memory_space<vmem>>) dst(%dma_wait3A_192 : memref<32x1024xf32, #tpu.memory_space<hbm>>)
    %dma_wait3A_193 = arith.constant 0 : i32
    %dma_wait3A_194 = tpu.memref_slice %arg3[%add3A_96, %dma_wait3A_193] : memref<8192x1024xf32, #tpu.memory_space<hbm>> -> memref<32x1024xf32, #tpu.memory_space<hbm>>
    %dma_wait3A_195 = arith.constant 0 : i32
    %dma_wait3A_196 = arith.constant 0 : i32
    %dma_wait3A_197 = tpu.memref_slice %arg6[%add3A_130, %dma_wait3A_195, %dma_wait3A_196] : memref<32x32x1024xf32, #tpu.memory_space<vmem_shared>> -> memref<1x32x1024xf32, #tpu.memory_space<vmem_shared>>
    %dma_wait3A_198 = tpu.memref_squeeze %dma_wait3A_197 : memref<1x32x1024xf32, #tpu.memory_space<vmem_shared>> -> memref<32x1024xf32, #tpu.memory_space<vmem_shared>>
    tpu.wait_dma2 semaphore(%arg13 : memref<!tpu.dma_semaphore, #tpu.memory_space<semaphore_mem>>) src(%dma_wait3A_198 : memref<32x1024xf32, #tpu.memory_space<vmem_shared>>) dst(%dma_wait3A_194 : memref<32x1024xf32, #tpu.memory_space<hbm>>)
    %dma_wait3A_199 = arith.constant 0 : i32
    %dma_wait3A_200 = tpu.memref_slice %arg3[%add3A_138, %dma_wait3A_199] : memref<8192x1024xf32, #tpu.memory_space<hbm>> -> memref<32x1024xf32, #tpu.memory_space<hbm>>
    %dma_wait3A_201 = arith.constant 0 : i32
    %dma_wait3A_202 = tpu.memref_slice %arg3[%add3A_138, %dma_wait3A_201] : memref<8192x1024xf32, #tpu.memory_space<hbm>> -> memref<32x1024xf32, #tpu.memory_space<hbm>>
    tpu.wait_dma2 semaphore(%arg10 : memref<!tpu.dma_semaphore, #tpu.memory_space<semaphore_mem>>) src(%arg5 : memref<32x1024xf32, #tpu.memory_space<vmem>>) dst(%dma_wait3A_202 : memref<32x1024xf32, #tpu.memory_space<hbm>>)
    %dma_wait3A_203 = arith.constant 0 : i32
    %dma_wait3A_204 = tpu.memref_slice %arg3[%add3A_148, %dma_wait3A_203] : memref<8192x1024xf32, #tpu.memory_space<hbm>> -> memref<32x1024xf32, #tpu.memory_space<hbm>>
    %dma_wait3A_205 = arith.constant 0 : i32
    %dma_wait3A_206 = arith.constant 0 : i32
    %dma_wait3A_207 = tpu.memref_slice %arg6[%add3A_182, %dma_wait3A_205, %dma_wait3A_206] : memref<32x32x1024xf32, #tpu.memory_space<vmem_shared>> -> memref<1x32x1024xf32, #tpu.memory_space<vmem_shared>>
    %dma_wait3A_208 = tpu.memref_squeeze %dma_wait3A_207 : memref<1x32x1024xf32, #tpu.memory_space<vmem_shared>> -> memref<32x1024xf32, #tpu.memory_space<vmem_shared>>
    tpu.wait_dma2 semaphore(%arg14 : memref<!tpu.dma_semaphore, #tpu.memory_space<semaphore_mem>>) src(%dma_wait3A_208 : memref<32x1024xf32, #tpu.memory_space<vmem_shared>>) dst(%dma_wait3A_204 : memref<32x1024xf32, #tpu.memory_space<hbm>>)
    return
  }
}

</mosaic_0001>

<sc_bundles>
// kernel: kernel.3.cloned.1.call-start
scs
__scs_entry_jumppad:
0x0: {  	(pc) =	sbr.rel $0x88, $3  }
0x1: {  	(tag) =	ssettag $0x0;
	lr =	simm.s32 $0x1  }
0x2: {  	[smem:$0x3FA0] =	sst lr;
	_ =	strace $0xD0000000  }
0x3: {  	_ = 	snop  }
0x4: {  	_ = 	snop  }
0x5: {  	_ = 	snop  }
0x6: {  	_ = 	snop  }
0x7: {  	_ = 	snop  }
__scs_overlays_trampoline_lowered:
0x8: {  	[smem:$0x3FAF] =	sst s0  }
0x9: {  	[smem:$0x3FB0] =	sst s1  }
0xa: {  	[smem:$0x3FB1] =	sst s2  }
0xb: {  	[smem:$0x3FB2] =	sst s3  }
0xc: {  	[smem:$0x3FB3] =	sst s4  }
0xd: {  	[smem:$0x3FB4] =	sst s5  }
0xe: {  	[smem:$0x3FB5] =	sst s6  }
0xf: {  	[smem:$0x3FB6] =	sst s7  }
0x10: {  	[smem:$0x3FB7] =	sst s8  }
0x11: {  	[smem:$0x3FB8] =	sst s9;
	s0 =	simm.s32 @!p0 $0x0  }
0x12: {  	s1 =	sld [smem:$0x3F9E];
	s0 =	simm.s32 @p0 $0x1  }
0x13: {  	[smem:$0x3FB9] =	sst s0;
	s0 =	simm.s32 @!p1 $0x0  }
0x14: {  	s2 =	sld [smem:$0x3F9D];
	s0 =	simm.s32 @p1 $0x1  }
0x15: {  	[smem:$0x3FBA] =	sst s0;
	s0 =	simm.s32 @!p2 $0x0  }
0x16: {  	s3 =	sld [smem:$0x3FDB];
	s0 =	simm.s32 @p2 $0x1  }
0x17: {  	s4 =	simm.s32 $0x1BF5;
	[smem:$0x3FBC] =	sst s0  }
0x18: {  	s0 =	sld [smem:$0x3F9F];
	_ =	swait.ge [sflag:s4], $0x0  }
0x19: {  	s7 =	sld [smem:$0x3FA0]  }
0x1a: {  	s8 =	sadd.s32 $0xFFFFE003, lr  }
0x1b: {  	s9 =	sadd.s32 $0xFFFFFEF7, lr;
	s5 =	simm.s32 $0xFFFFFFFF;
	p2 =	slt.u32 s8, $0xFFFFF086  }
0x1c: {  	p1 =	slt.u32 s9, $0xF7A;
	s5 =	simm.s32 @!p2 $0x0  }
0x1d: {  	s5 =	simm.s32 @p1 $0x1;
	p0 =	seq.s32 s7, s2  }
0x1e: {  	s7 =	smul.u32 @!p0 $0xF7A, s2;
	p2 =	seq.s32 @!p0 s5, $0x0  }
0x1f: {  	s9 =	smul.u32 $0xF7A, s1;
	s8 =	simm.s32 @!p0 $0x1BF5;
	p2 =	por !p2, p0  }
0x20: {  	[sflag:s8] =	ssyncset.s32 @!p0 $0xFFFFF086;
	s6 =	sadd.s32 @!p0 s3, s7;
	s7 =	simm.s32 @!p0 $0x108  }
0x21: {  	s3 =	sadd.s32 s3, s9;
	s6 =	sadd.s32 @!p0 $0x88, s6;
	s7 =	simm.s32 @p2 $0x1082  }
0x22: {  	[simem:s7], [sflag:s8] =	dma.local @!p0 [hbm:s6], $0xF7A  }
0x23: {  	s9 =	sor.u32 $0xD0000000, s2;
	s6 =	simm.s32 $0x108;
	_ =	swait.ge @!p0 [sflag:s8], $0x0  }
0x24: {  	s3 =	sadd.s32 $0x88, s3;
	s6 =	simm.s32 @!p1 $0x1082;
	[sflag:s4] =	ssyncset.s32 $0xFFFFF086  }
0x25: {  	[simem:s6], [sflag:s4] =	dma.local [hbm:s3], $0xF7A  }
0x26: {  	[smem:$0x3FA0] =	sst s1;
	(tag) =	ssettag s2;
	_ =	strace s9  }
0x27: {  	s1 =	sld [smem:$0x3FB0]  }
0x28: {  	s2 =	sld [smem:$0x3FB1]  }
0x29: {  	s4 =	sld [smem:$0x3FB3]  }
0x2a: {  	p0 =	seq.s32 s5, $0x0;
	s5 =	sld [smem:$0x3FB4]  }
0x2b: {  	s6 =	sld [smem:$0x3FB5]  }
0x2c: {  	s7 =	sld [smem:$0x3FB6]  }
0x2d: {  	s3 =	simm.s32 $0x108;
	s8 =	sld [smem:$0x3FB7]  }
0x2e: {  	s3 =	simm.s32 @!p0 $0x1082;
	s9 =	sld [smem:$0x3FB8]  }
0x2f: {  	lr =	sadd.s32 s0, s3;
	s0 =	sld [smem:$0x3FAF]  }
0x30: {  	s3 =	sld [smem:$0x3FB2]  }
0x31: {  	[smem:$0x3FBB] =	sst s10  }
0x32: {  	s10 =	sld [smem:$0x3FB9];
	_ =	sdelay $0x3  }
0x33: {  	p0 =	seq.s32 s10, $0x1;
	s10 =	sld [smem:$0x3FBB];
	_ =	sdelay $0x3  }
0x34: {  	[smem:$0x3FBB] =	sst s10  }
0x35: {  	s10 =	sld [smem:$0x3FBA];
	_ =	sdelay $0x3  }
0x36: {  	p1 =	seq.s32 s10, $0x1;
	s10 =	sld [smem:$0x3FBB];
	_ =	sdelay $0x3  }
0x37: {  	[smem:$0x3FBB] =	sst s10  }
0x38: {  	s10 =	sld [smem:$0x3FBC]  }
0x39: {  	_ = 	snop;
	(pc) =	sbr.ind lr, $3  }
0x3a: {  	_ = 	snop  }
0x3b: {  	_ = 	snop  }
0x3c: {  	p2 =	seq.s32 s10, $0x1;
	s10 =	sld [smem:$0x3FBB]  }
0x3d: {  	_ =	shalt  }
0x3e: {  	_ =	shalt  }
0x3f: {  	_ =	shalt  }
0x40: {  	_ =	shalt  }
0x41: {  	_ =	shalt  }
0x42: {  	_ =	shalt  }
0x43: {  	_ =	shalt  }
0x44: {  	_ =	shalt  }
0x45: {  	_ =	shalt  }
0x46: {  	_ =	shalt  }
0x47: {  	_ =	shalt  }
0x48: {  	_ =	shalt  }
0x49: {  	_ =	shalt  }
0x4a: {  	_ =	shalt  }
0x4b: {  	_ =	shalt  }
0x4c: {  	_ =	shalt  }
0x4d: {  	_ =	shalt  }
0x4e: {  	_ =	shalt  }
0x4f: {  	_ =	shalt  }
0x50: {  	_ =	shalt  }
0x51: {  	_ =	shalt  }
0x52: {  	_ =	shalt  }
0x53: {  	_ =	shalt  }
0x54: {  	_ =	shalt  }
0x55: {  	_ =	shalt  }
0x56: {  	_ =	shalt  }
0x57: {  	_ =	shalt  }
0x58: {  	_ =	shalt  }
0x59: {  	_ =	shalt  }
0x5a: {  	_ =	shalt  }
0x5b: {  	_ =	shalt  }
0x5c: {  	_ =	shalt  }
0x5d: {  	_ =	shalt  }
0x5e: {  	_ =	shalt  }
0x5f: {  	_ =	shalt  }
0x60: {  	_ =	shalt  }
0x61: {  	_ =	shalt  }
0x62: {  	_ =	shalt  }
0x63: {  	_ =	shalt  }
0x64: {  	_ =	shalt  }
0x65: {  	_ =	shalt  }
0x66: {  	_ =	shalt  }
0x67: {  	_ =	shalt  }
0x68: {  	_ =	shalt  }
0x69: {  	_ =	shalt  }
0x6a: {  	_ =	shalt  }
0x6b: {  	_ =	shalt  }
0x6c: {  	_ =	shalt  }
0x6d: {  	_ =	shalt  }
0x6e: {  	_ =	shalt  }
0x6f: {  	_ =	shalt  }
0x70: {  	_ =	shalt  }
0x71: {  	_ =	shalt  }
0x72: {  	_ =	shalt  }
0x73: {  	_ =	shalt  }
0x74: {  	_ =	shalt  }
0x75: {  	_ =	shalt  }
0x76: {  	_ =	shalt  }
0x77: {  	_ =	shalt  }
0x78: {  	_ =	shalt  }
0x79: {  	_ =	shalt  }
0x7a: {  	_ =	shalt  }
0x7b: {  	_ =	shalt  }
0x7c: {  	_ =	shalt  }
0x7d: {  	_ =	shalt  }
0x7e: {  	_ =	shalt  }
0x7f: {  	_ =	shalt  }
0x80: {  	_ =	shalt  }
0x81: {  	_ =	shalt  }
0x82: {  	_ =	shalt  }
0x83: {  	_ =	shalt  }
0x84: {  	_ =	shalt  }
0x85: {  	_ =	shalt  }
0x86: {  	_ =	shalt  }
0x87: {  	_ =	shalt  }
.Lfunc_end0:
.L_simem_size_0:
called_computation_lowered:
.L_overlay_start_0:
0x88: {  	s2 =	sld [smem:$0x3FD9]  }
0x89: {  	s3 =	sld [smem:$0x3FFE];
	_ =	sdelay $0x1  }
0x8a: {  	s1 =	srdreg.scid  }
0x8b: {  	s0 =	sand.u32 $0x1, s1  }
0x8c: {  	s18 =	sshll.u32 s0, $0xA;
	s2 =	sadd.s32 s3, s2  }
0x8d: {  	s2 =	sadd.s32 s2, s18  }
0x8e: {  	[smem:$0x3FC7] =	sst s2  }
0x8f: {  	_ = 	snop  }
0x90: {  	s2 =	sld [smem:$0x3FC9]  }
0x91: {  	s19 =	sld [smem:$0x3FD0];
	(tm) =	ssettm $0x1  }
0x92: {  	s4 =	sld [smem:$0x3FFB];
	_ =	sdelay $0x3  }
0x93: {  	_ =	strace s4  }
0x94: {  	s4 =	sld [smem:$0x3FFC];
	_ =	sdelay $0x3  }
0x95: {  	_ =	strace s4  }
0x96: {  	s4 =	sld [smem:$0x3FFD];
	_ =	sdelay $0x3  }
0x97: {  	_ =	strace s4  }
0x98: {  	_ =	strace $0x8FFFFFFF  }
0x99: {  	s20 =	sld [smem:$0x3FDB];
	_ =	sdelay $0x1  }
0x9a: {  	s5 =	simm.s32 $_scs_section_size  }
0x9b: {  	s6 =	simm.s32 $_size__tile_overlayer_lowered;
	s7 =	simm.s32 $_tile_overlayer_lowered  }
0x9c: {  	s23 =	simm.s32 $0x1BFF;
	s22 =	sshll.u32 s7, $0x1;
	s4 =	sadd.s32 s5, s20  }
0x9d: {  	s8 =	simm.s32 $0x0;
	s21 =	sshll.u32 s6, $0x1;
	s6 =	sadd.s32 s22, s4  }
0x9e: {  	[timem:s8], [sflag:s23] =	dma.local [hbm:s6], s21  }
0x9f: {  	_ =	swait.ge [sflag:s23], s21  }
0xa0: {  	s5 =	ssub.s32 $0x0, s21;
	[sflag:s23] =	ssyncset.done $0x0  }
0xa1: {  	[sflag:s23] =	ssyncadd.s32 s5;
	_ =	sdelay $0x1  }
0xa2: {  	s24 =	simm.s32 $0x1B8B  }
0xa3: {  	_ =	swait.ge [sflag:s24], $0x1  }
0xa4: {  	[sflag:s24] =	ssyncset.done $0x0  }
0xa5: {  	s25 =	simm.s32 $0x1B8E;
	[sflag:s24] =	ssyncadd.s32 $0xFFFFFFFF  }
0xa6: {  	s26 =	simm.s32 $execute0_lowered;
	[smem:$0x3FD2] =	sst s25  }
0xa7: {  	s5 =	sshll.u32 s26, $0x1;
	_ =	strace $0x80000046;
	[dreg:$0x1] =	wrdreg $0xFFFFFFFF  }
0xa8: {  	s28 =	simm.s32 $_size_execute0_lowered;
	s4 =	sadd.s32 s4, s5;
	[dreg:$0x0] =	wrdreg $0x0  }
0xa9: {  	s5 =	sshll.u32 s28, $0x1;
	[dreg:$0x2] =	wrdreg s4  }
0xaa: {  	[dreg:$0x3] =	wrdreg s5  }
0xab: {  	[dreg:$0x4] =	wrdreg $0xC0  }
0xac: {  	_ =	task [dreg:s8], $0x5FFFF  }
0xad: {  	[dreg:$0x1] =	wrdreg $0xFFFFFFFF  }
0xae: {  	[dreg:$0x0] =	wrdreg $0x60  }
0xaf: {  	[dreg:$0x2] =	wrdreg s2  }
0xb0: {  	[dreg:$0x3] =	wrdreg s19  }
0xb1: {  	[dreg:$0x4] =	wrdreg $0x100000  }
0xb2: {  	[dreg:$0x5] =	wrdreg $0x9  }
0xb3: {  	_ =	task.clear_ibuf [dreg:s8], $0x6FFFF;
	_ =	strace $0x90000046  }
0xb4: {  	s29 =	simm.s32 $0x9;
	_ =	strace $0x80000048  }
0xb5: {  	_ =	swait.ge [sflag:s29], $0x1  }
0xb6: {  	[sflag:s29] =	ssyncadd.s32 $0xFFFFFFFF  }
0xb7: {  	_ =	strace $0x90000048  }
0xb8: {  	_ =	sfence  }
0xb9: {  	s30 =	sld [smem:$0x0];
	_ =	sdelay $0x2  }
0xba: {  	s31 =	sshll.u32 s1, $0xD;
	s1 =	sshrl.u32 s1, $0x2  }
0xbb: {  	s3 =	sand.u32 $0x4000, s31;
	s1 =	sadd.s32 s1, s30  }
0xbc: {  	s0 =	sor.u32 s3, s0;
	s1 =	sshll.u32 s1, $0x11  }
0xbd: {  	s0 =	sor.u32 s1, s0  }
0xbe: {  	s0 =	sadd.s32 $0x8F2B, s0  }
0xbf: {  	[sflag:s0] =	ssyncadd.remote.s32 $0x1  }
0xc0: {  	_ =	sfence.sel $0xFFFF  }
0xc1: {  	[dreg:$0x0] =	wrdreg $0xFFFFFFFF;
	(pc) =	sbr.abs _section_cstart, $3  }
0xc2: {  	[dreg:$0x1] =	wrdreg $0xFFFFFFFF  }
0xc3: {  	_ =	task.clear_ibuf [dreg:s8], $0x2FFFF;
	_ =	strace $0x9FFFFFFF  }
0xc4: {  	(tm) =	ssettm $0x7FFFFFFF  }
0xc5: {  	_ =	shalt  }
tec
execute0_lowered:
.L_overlay_start_1:
0x0: {  	(tag) =	ssettag $0x1  }
0x1: {  	s26 =	rddreg [dreg:$0x0];
	s2 =	srdreg.scid  }
0x2: {  	s29 =	rddreg [dreg:$0x1];
	s1 =	stileid.u32;
	s30 =	sand.u32 $0x1, s2  }
0x3: {  	s2 =	simm.s32 $0x0;
	s5 =	sshll.u32 s1, $0xF;
	s4 =	sshll.u32 s30, $0x13  }
0x4: {  	[smem:$0x7FF] =	sst s2;
	s28 =	sor.u32 s5, s4  }
0x5: {  	s3 =	rddreg [dreg:$0x2];
	_ =	strace $0x80000047;
	s4 =	sadd.s32 s26, s28  }
0x6: {  	s5 =	sor.u32 $0x4000, s28;
	s21 =	sadd.s32 s29, s28;
	[dreg:$0x4] =	wrdreg s4  }
0x7: {  	s20 =	sadd.s32 s26, s5;
	[dreg:$0x6] =	wrdreg s21  }
0x8: {  	s22 =	sadd.s32 s29, s5;
	[dreg:$0x5] =	wrdreg s20  }
0x9: {  	s6 =	sshll.u32 s1, $0x10;
	s13 =	sor.u32 $0x1000, s28;
	[dreg:$0x7] =	wrdreg s22  }
0xa: {  	s17 =	sshll.u32 s1, $0x6;
	s24 =	sadd.s32 s26, s13;
	s23 =	rddreg [dreg:$0x4]  }
0xb: {  	s8 =	sadd.s32 s6, s3;
	s3 =	sor.u32 $0x1C05, s17;
	[dreg:$0x8] =	wrdreg s24  }
0xc: {  	s4 =	simm.s32 $0x1;
	s5 =	sshrl.u32 s8, $0x3;
	s7 =	rddreg [dreg:$0x5]  }
0xd: {  	[tilespmem:s2], [sflag:$0x1] =	stream.linear.gather [hbm4b:s23+s2], $0x8000, $0x38;
	v63 =	vld [tilespmem:$0x0]  }
0xe: {  	[spmem:s5], [sflag:s3] =	dma.local [hbm:s7], $0x1000  }
0xf: {  	_ =	swait.ge [sflag:s4], $0x8000  }
0x10: {  	s11 =	simm.s32 $0x2;
	[sflag:s4] =	ssyncset.done $0x0  }
0x11: {  	s6 =	simm.s32 $0x5;
	s25 =	rddreg [dreg:$0x6];
	[sflag:s4] =	ssyncadd.s32 $0xFFFF8000  }
0x12: {  	[hbm4b:s25+s2] =	stream.linear.scatter [tilespmem:s2], [sflag:$0x3], $0x8000, $0x38;
	v63 =	vld [tilespmem:$0x0]  }
0x13: {  	s12 =	sor.u32 $0x1C06, s17;
	s10 =	sadd.s32 $0x8000, s8;
	_ =	swait.ge [sflag:s6], $0x1000  }
0x14: {  	s15 =	sor.u32 $0x5000, s28;
	s10 =	sshrl.u32 s10, $0x3;
	[sflag:s6] =	ssyncset.done $0x0  }
0x15: {  	s7 =	sor.u32 $0x1C07, s17;
	s9 =	rddreg [dreg:$0x7];
	[sflag:s6] =	ssyncadd.s32 $0xFFFFF000  }
0x16: {  	[hbm:s9], [sflag:s7] =	dma.local [spmem:s5], $0x1000  }
0x17: {  	s8 =	sadd.s32 s26, s15;
	s9 =	simm.s32 $0x8000;
	s14 =	rddreg [dreg:$0x8]  }
0x18: {  	[tilespmem:s9], [sflag:$0x2] =	stream.linear.gather [hbm4b:s14+s2], $0x8000, $0x38;
	v63 =	vld [tilespmem:$0x0]  }
0x19: {  	[spmem:s10], [sflag:s12] =	dma.local [hbm:s8], $0x1000  }
0x1a: {  	_ =	swait.ge [sflag:s11], $0x8000  }
0x1b: {  	[sflag:s11] =	ssyncset.done $0x0  }
0x1c: {  	s13 =	sadd.s32 s29, s13;
	s14 =	simm.s32 $0x6;
	[sflag:s11] =	ssyncadd.s32 $0xFFFF8000  }
0x1d: {  	[hbm4b:s13+s2] =	stream.linear.scatter [tilespmem:s9], [sflag:$0x4], $0x8000, $0x38;
	v63 =	vld [tilespmem:$0x0]  }
0x1e: {  	_ =	swait.ge [sflag:s14], $0x1000  }
0x1f: {  	s16 =	simm.s32 $0x3;
	[sflag:s14] =	ssyncset.done $0x0  }
0x20: {  	s15 =	sadd.s32 s29, s15;
	s17 =	sor.u32 $0x1C08, s17;
	[sflag:s14] =	ssyncadd.s32 $0xFFFFF000  }
0x21: {  	[hbm:s15], [sflag:s17] =	dma.local [spmem:s10], $0x1000  }
0x22: {  	_ =	swait.ge [sflag:s16], $0x8000  }
0x23: {  	s21 =	sor.u32 $0x2000, s28;
	[sflag:s16] =	ssyncset.done $0x0  }
0x24: {  	s19 =	simm.s32 $0x7;
	s18 =	sadd.s32 s26, s21;
	[sflag:s16] =	ssyncadd.s32 $0xFFFF8000  }
0x25: {  	[tilespmem:s2], [sflag:$0x1] =	stream.linear.gather [hbm4b:s18+s2], $0x8000, $0x38;
	v63 =	vld [tilespmem:$0x0]  }
0x26: {  	_ =	swait.ge [sflag:s19], $0x1000  }
0x27: {  	s22 =	sor.u32 $0x6000, s28;
	[sflag:s19] =	ssyncset.done $0x0  }
0x28: {  	s20 =	sadd.s32 s26, s22;
	[sflag:s19] =	ssyncadd.s32 $0xFFFFF000  }
0x29: {  	[spmem:s5], [sflag:s3] =	dma.local [hbm:s20], $0x1000  }
0x2a: {  	_ =	swait.ge [sflag:s4], $0x8000  }
0x2b: {  	[sflag:s4] =	ssyncset.done $0x0  }
0x2c: {  	s21 =	sadd.s32 s29, s21;
	[sflag:s4] =	ssyncadd.s32 $0xFFFF8000  }
0x2d: {  	[hbm4b:s21+s2] =	stream.linear.scatter [tilespmem:s2], [sflag:$0x3], $0x8000, $0x38;
	v63 =	vld [tilespmem:$0x0]  }
0x2e: {  	_ =	swait.ge [sflag:s6], $0x1000  }
0x2f: {  	[sflag:s6] =	ssyncset.done $0x0  }
0x30: {  	s22 =	sadd.s32 s29, s22;
	s23 =	simm.s32 $0x4;
	[sflag:s6] =	ssyncadd.s32 $0xFFFFF000  }
0x31: {  	[hbm:s22], [sflag:s7] =	dma.local [spmem:s5], $0x1000  }
0x32: {  	_ =	swait.ge [sflag:s23], $0x8000  }
0x33: {  	s31 =	sor.u32 $0x3000, s28;
	[sflag:s23] =	ssyncset.done $0x0  }
0x34: {  	s24 =	simm.s32 $0x8;
	s25 =	sadd.s32 s26, s31;
	[sflag:s23] =	ssyncadd.s32 $0xFFFF8000  }
0x35: {  	[tilespmem:s9], [sflag:$0x2] =	stream.linear.gather [hbm4b:s25+s2], $0x8000, $0x38;
	v63 =	vld [tilespmem:$0x0]  }
0x36: {  	_ =	swait.ge [sflag:s24], $0x1000  }
0x37: {  	s0 =	sor.u32 $0x7000, s28;
	[sflag:s24] =	ssyncset.done $0x0  }
0x38: {  	s26 =	sadd.s32 s26, s0;
	[sflag:s24] =	ssyncadd.s32 $0xFFFFF000  }
0x39: {  	[spmem:s10], [sflag:s12] =	dma.local [hbm:s26], $0x1000  }
0x3a: {  	_ =	swait.ge [sflag:s11], $0x8000  }
0x3b: {  	[sflag:s11] =	ssyncset.done $0x0  }
0x3c: {  	s28 =	sadd.s32 s29, s31;
	[sflag:s11] =	ssyncadd.s32 $0xFFFF8000  }
0x3d: {  	[hbm4b:s28+s2] =	stream.linear.scatter [tilespmem:s9], [sflag:$0x4], $0x8000, $0x38;
	v63 =	vld [tilespmem:$0x0]  }
0x3e: {  	_ =	swait.ge [sflag:s14], $0x1000  }
0x3f: {  	[sflag:s14] =	ssyncset.done $0x0  }
0x40: {  	s29 =	sadd.s32 s29, s0;
	[sflag:s14] =	ssyncadd.s32 $0xFFFFF000  }
0x41: {  	[hbm:s29], [sflag:s17] =	dma.local [spmem:s10], $0x1000  }
0x42: {  	s31 =	ssub.s32 $0x2, s30;
	_ =	swait.ge [sflag:s16], $0x8000  }
0x43: {  	s30 =	sshrl.u32 s31, $0x1;
	[sflag:s16] =	ssyncset.done $0x0  }
0x44: {  	s0 =	ssub.s32 s31, s30;
	[sflag:s16] =	ssyncadd.s32 $0xFFFF8000  }
0x45: {  	s0 =	smax.u32 s0, $0x1;
	_ =	swait.ge [sflag:s19], $0x1000  }
0x46: {  	p0 =	sne.s32 s0, $0x1;
	[sflag:s19] =	ssyncset.done $0x0  }
.Ltmp0:
0x47: {  	[sflag:s19] =	ssyncadd.s32 $0xFFFFF000;
	(pc) =	sbr.rel @!p0 .LBB2_2-.Ltmp0, $4  }
0x48: {  	_ =	swait.ge [sflag:s23], $0x8000  }
0x49: {  	[sflag:s23] =	ssyncset.done $0x0  }
0x4a: {  	[sflag:s23] =	ssyncadd.s32 $0xFFFF8000  }
0x4b: {  	s30 =	sadd.s32 $0xFFFFFFFF, s0;
	_ =	swait.ge [sflag:s24], $0x1000  }
.LBB2_1:
0x4c: {  	s0 =	rddreg [dreg:$0x4];
	[sflag:s24] =	ssyncset.done $0x0  }
0x4d: {  	s31 =	rddreg [dreg:$0x5];
	[sflag:s24] =	ssyncadd.s32 $0xFFFFF000  }
0x4e: {  	[tilespmem:s2], [sflag:$0x1] =	stream.linear.gather [hbm4b:s0+s2], $0x8000, $0x38;
	v63 =	vld [tilespmem:$0x0]  }
0x4f: {  	[spmem:s5], [sflag:s3] =	dma.local [hbm:s31], $0x1000  }
0x50: {  	_ =	swait.ge [sflag:s4], $0x8000  }
0x51: {  	[sflag:s4] =	ssyncset.done $0x0  }
0x52: {  	s31 =	rddreg [dreg:$0x6];
	[sflag:s4] =	ssyncadd.s32 $0xFFFF8000  }
0x53: {  	[hbm4b:s31+s2] =	stream.linear.scatter [tilespmem:s2], [sflag:$0x3], $0x8000, $0x38;
	v63 =	vld [tilespmem:$0x0]  }
0x54: {  	_ =	swait.ge [sflag:s6], $0x1000  }
0x55: {  	[sflag:s6] =	ssyncset.done $0x0  }
0x56: {  	s31 =	rddreg [dreg:$0x7];
	[sflag:s6] =	ssyncadd.s32 $0xFFFFF000  }
0x57: {  	[hbm:s31], [sflag:s7] =	dma.local [spmem:s5], $0x1000  }
0x58: {  	s0 =	rddreg [dreg:$0x8]  }
0x59: {  	[tilespmem:s9], [sflag:$0x2] =	stream.linear.gather [hbm4b:s0+s2], $0x8000, $0x38;
	v63 =	vld [tilespmem:$0x0]  }
0x5a: {  	[spmem:s10], [sflag:s12] =	dma.local [hbm:s8], $0x1000  }
0x5b: {  	_ =	swait.ge [sflag:s11], $0x8000  }
0x5c: {  	[sflag:s11] =	ssyncset.done $0x0  }
0x5d: {  	[sflag:s11] =	ssyncadd.s32 $0xFFFF8000  }
0x5e: {  	[hbm4b:s13+s2] =	stream.linear.scatter [tilespmem:s9], [sflag:$0x4], $0x8000, $0x38;
	v63 =	vld [tilespmem:$0x0]  }
0x5f: {  	_ =	swait.ge [sflag:s14], $0x1000  }
0x60: {  	[sflag:s14] =	ssyncset.done $0x0  }
0x61: {  	[sflag:s14] =	ssyncadd.s32 $0xFFFFF000  }
0x62: {  	[hbm:s15], [sflag:s17] =	dma.local [spmem:s10], $0x1000  }
0x63: {  	_ =	swait.ge [sflag:s16], $0x8000  }
0x64: {  	[sflag:s16] =	ssyncset.done $0x0  }
0x65: {  	[sflag:s16] =	ssyncadd.s32 $0xFFFF8000  }
0x66: {  	[tilespmem:s2], [sflag:$0x1] =	stream.linear.gather [hbm4b:s18+s2], $0x8000, $0x38;
	v63 =	vld [tilespmem:$0x0]  }
0x67: {  	_ =	swait.ge [sflag:s19], $0x1000  }
0x68: {  	[sflag:s19] =	ssyncset.done $0x0  }
0x69: {  	[sflag:s19] =	ssyncadd.s32 $0xFFFFF000  }
0x6a: {  	[spmem:s5], [sflag:s3] =	dma.local [hbm:s20], $0x1000  }
0x6b: {  	_ =	swait.ge [sflag:s4], $0x8000  }
0x6c: {  	[sflag:s4] =	ssyncset.done $0x0  }
0x6d: {  	[sflag:s4] =	ssyncadd.s32 $0xFFFF8000  }
0x6e: {  	[hbm4b:s21+s2] =	stream.linear.scatter [tilespmem:s2], [sflag:$0x3], $0x8000, $0x38;
	v63 =	vld [tilespmem:$0x0]  }
0x6f: {  	_ =	swait.ge [sflag:s6], $0x1000  }
0x70: {  	[sflag:s6] =	ssyncset.done $0x0  }
0x71: {  	[sflag:s6] =	ssyncadd.s32 $0xFFFFF000  }
0x72: {  	[hbm:s22], [sflag:s7] =	dma.local [spmem:s5], $0x1000  }
0x73: {  	_ =	swait.ge [sflag:s23], $0x8000  }
0x74: {  	[sflag:s23] =	ssyncset.done $0x0  }
0x75: {  	[sflag:s23] =	ssyncadd.s32 $0xFFFF8000  }
0x76: {  	[tilespmem:s9], [sflag:$0x2] =	stream.linear.gather [hbm4b:s25+s2], $0x8000, $0x38;
	v63 =	vld [tilespmem:$0x0]  }
0x77: {  	_ =	swait.ge [sflag:s24], $0x1000  }
0x78: {  	[sflag:s24] =	ssyncset.done $0x0  }
0x79: {  	[sflag:s24] =	ssyncadd.s32 $0xFFFFF000  }
0x7a: {  	[spmem:s10], [sflag:s12] =	dma.local [hbm:s26], $0x1000  }
0x7b: {  	_ =	swait.ge [sflag:s11], $0x8000  }
0x7c: {  	[sflag:s11] =	ssyncset.done $0x0  }
0x7d: {  	[sflag:s11] =	ssyncadd.s32 $0xFFFF8000  }
0x7e: {  	[hbm4b:s28+s2] =	stream.linear.scatter [tilespmem:s9], [sflag:$0x4], $0x8000, $0x38;
	v63 =	vld [tilespmem:$0x0]  }
0x7f: {  	_ =	swait.ge [sflag:s14], $0x1000  }
0x80: {  	[sflag:s14] =	ssyncset.done $0x0  }
0x81: {  	[sflag:s14] =	ssyncadd.s32 $0xFFFFF000  }
0x82: {  	[hbm:s29], [sflag:s17] =	dma.local [spmem:s10], $0x1000  }
0x83: {  	_ =	swait.ge [sflag:s16], $0x8000  }
0x84: {  	[sflag:s16] =	ssyncset.done $0x0  }
0x85: {  	[sflag:s16] =	ssyncadd.s32 $0xFFFF8000  }
0x86: {  	_ =	swait.ge [sflag:s19], $0x1000  }
0x87: {  	p0 =	sne.s32 s30, $0x1;
	[sflag:s19] =	ssyncset.done $0x0  }
.Ltmp1:
0x88: {  	[sflag:s19] =	ssyncadd.s32 $0xFFFFF000;
	(pc) =	sbr.rel @p0 .LBB2_1-.Ltmp1, $4  }
0x89: {  	_ =	swait.ge [sflag:s23], $0x8000  }
0x8a: {  	[sflag:s23] =	ssyncset.done $0x0  }
0x8b: {  	[sflag:s23] =	ssyncadd.s32 $0xFFFF8000  }
0x8c: {  	s30 =	sadd.s32 $0xFFFFFFFF, s30;
	_ =	swait.ge [sflag:s24], $0x1000  }
.LBB2_2:
0x8d: {  	[sflag:s24] =	ssyncset.done $0x0  }
0x8e: {  	[sflag:s24] =	ssyncadd.s32 $0xFFFFF000  }
0x8f: {  	_ =	sfence.sel $0x180000  }
0x90: {  	[bflag:$0x0] =	sbarrier.arrive $0xFFFF  }
0x91: {  	_ =	strace $0x90000047  }
0x92: {  	[bflag:$0x2] =	sbarrier.arrive $0xFFFF  }
0x93: {  	p0 =	sne.s32 s1, $0x0;
	s0 =	rddreg [dreg:$0x3]  }
0x94: {  	s0 =	sadd.s32 @!p0 $0x100000, s0  }
0x95: {  	[sflag:s0] =	ssyncadd.tile.s32 @!p0 $0x1;
	_ =	shalt  }
.Lfunc_end2:
_tile_overlayer_lowered:
.L_overlay_start_2:
0x96: {  	(tag) =	ssettag $0x2  }
0x97: {  	s0 =	rddreg [dreg:$0x0];
	s2 =	stileid.u32  }
0x98: {  	s1 =	rddreg [dreg:$0x1];
	p0 =	sne.s32 s2, $0x0  }
0x99: {  	s3 =	rddreg [dreg:$0x2];
	[bflag:$0x3] =	sbarrier.arrive $0xFFFF;
	s2 =	simm.s32 @!p0 $0x1C09  }
0x9a: {  	[timem:s3], [sflag:s2] =	dma.local @!p0 [hbm:s0], s1  }
0x9b: {  	s0 =	simm.s32 @!p0 $0x9  }
0x9c: {  	_ =	swait.ge @!p0 [sflag:s0], s1  }
0x9d: {  	s1 =	ssub.s32 @!p0 $0x0, s1;
	[sflag:s0] =	ssyncset.done @!p0 $0x0  }
0x9e: {  	[sflag:s0] =	ssyncadd.s32 @!p0 s1  }
0x9f: {  	[bflag:$0x3] =	sbarrier.arrive $0xFFFF  }
0xa0: {  	_ =	shalt  }

</sc_bundles>
